<compile_context>
chip_gen: v7x
topology: tpu7x:2x2x1
jax: 0.10.2.dev20260603
libtpu: 0.0.44.dev20260713+nightly
codegen_flags: <defaults>
</compile_context>

<pallas_src>
import functools

import jax
import jax.numpy as jnp
from jax import lax
from jax.experimental import pallas as pl
from jax.experimental.pallas import tpu as pltpu
from jax.experimental.pallas import tpu_sc as plsc

D_MODEL = 1024
VOCAB = 256
NUM_CORES = 2
NUM_SUBCORES = 16
NUM_WORKERS = NUM_CORES * NUM_SUBCORES
UNROLL = 4


def _emb_body(idx_hbm, table_hbm, out_hbm, idx_s, table_s, idx_sh, cp_sem,
              b_per_w):
    sid = lax.axis_index("s")
    wid = sid * NUM_CORES + lax.axis_index("c")
    base = wid * b_per_w
    rows_per_tile = VOCAB // NUM_SUBCORES

    pltpu.sync_copy(table_hbm.at[pl.ds(sid * rows_per_tile, rows_per_tile)],
                    table_s.at[pl.ds(sid * rows_per_tile, rows_per_tile)])
    pltpu.sync_copy(idx_hbm.at[pl.ds(base, b_per_w)],
                    idx_sh.at[pl.ds(base, b_per_w)])
    pltpu.sync_copy(idx_sh.at[pl.ds(base, b_per_w)], idx_s)
    plsc.subcore_barrier()

    def body(j, carry):
        for k in range(UNROLL):
            t = j * UNROLL + k
            s = idx_s[t]
            pltpu.async_copy(
                table_s.at[pl.ds(s, 1)], out_hbm.at[pl.ds(base + t, 1)],
                cp_sem)
        return carry

    lax.fori_loop(0, b_per_w // UNROLL, body, 0)

    pltpu.make_async_copy(
        out_hbm.at[pl.ds(base, b_per_w)], out_hbm.at[pl.ds(base, b_per_w)],
        cp_sem).wait()


@functools.partial(jax.jit, static_argnames=())
def _emb_lookup(x_flat, table):
    b = x_flat.shape[0]
    b_per_w = b // NUM_WORKERS
    mesh = plsc.VectorSubcoreMesh(core_axis_name="c", subcore_axis_name="s")
    fn = pl.kernel(
        functools.partial(_emb_body, b_per_w=b_per_w),
        mesh=mesh,
        out_type=jax.ShapeDtypeStruct((b, D_MODEL), jnp.float32),
        scratch_types=[
            pltpu.SMEM((b_per_w,), jnp.int32),
            pltpu.VMEM_SHARED((VOCAB, D_MODEL), jnp.float32),
            pltpu.VMEM_SHARED((b,), jnp.int32),
            pltpu.SemaphoreType.DMA,
        ],
    )
    return fn(x_flat, table)


def kernel(x, embedding_weight):
    batch, seq = x.shape
    out = _emb_lookup(x.reshape(batch * seq).astype(jnp.int32), embedding_weight)
    return out.reshape(batch, seq, D_MODEL)

# --- scband reference (transcript-rebuilt; emitter-appended) ---
"""Pipeline reference for scband-byte-embedding-53781580480965 (READ-ONLY COPY).

The authoritative reference and input builder live on the scoring server;
editing this copy changes nothing except your own understanding.
"""

import jax, jax.numpy as jnp
import numpy as np

VOCAB_SIZE = 256
D_MODEL = 1024
BATCH = 4
SEQ_LEN = 8192


def setup_inputs(seed: int = 0) -> dict:
    key = jax.random.key(seed)
    k_idx, k_emb = jax.random.split(key)
    x = jax.random.randint(k_idx, (BATCH, SEQ_LEN), 0, VOCAB_SIZE, dtype=jnp.int64 if jax.config.jax_enable_x64 else jnp.int32)
    embedding_weight = jax.random.normal(k_emb, (VOCAB_SIZE, D_MODEL), dtype=jnp.float32)
    return {"x": x, "embedding_weight": embedding_weight}


def reference(x, embedding_weight):
    # nn.Embedding forward: gather rows of the table by index
    return jnp.take(embedding_weight, x, axis=0)

if __name__ == "__main__":
    import jax
    _d = setup_inputs()
    print(jax.jit(kernel)(*tuple(_d.values())))

</pallas_src>

<mosaic_0001>
#map = affine_map<(d0, d1) -> (0)>
#map1 = affine_map<(d0, d1) -> (0, 0)>
module attributes {stable_mosaic.version = 14 : i64} {
  func.func @_emb_body(%arg0: i32, %arg1: i32, %arg2: memref<32768xi32, #tpu.memory_space<hbm>>, %arg3: memref<256x1024xf32, #tpu.memory_space<hbm>>, %arg4: memref<32768x1024xf32, #tpu.memory_space<hbm>>, %arg5: memref<1024xi32, #tpu.memory_space<smem>>, %arg6: memref<256x1024xf32, #tpu.memory_space<vmem_shared>>, %arg7: memref<32768xi32, #tpu.memory_space<vmem_shared>>, %arg8: memref<!tpu.dma_semaphore, #tpu.memory_space<semaphore_mem>>) attributes {dimension_semantics = [#tpu.dimension_semantics<core_parallel>, #tpu.dimension_semantics<subcore_parallel>], iteration_bounds = array<i64: 2, 16>, scalar_prefetch = 0 : i64, scratch_operands = 4 : i64, tpu.core_type = #tpu.core_type<sc_vector_subcore>, window_params = [{transform_indices = #map}, {transform_indices = #map1}, {transform_indices = #map1}]} {
    %mul3A = arith.constant 2 : i32
    %mul3A_0 = arith.muli %arg1, %mul3A : i32
    %add3A = arith.addi %mul3A_0, %arg0 : i32
    %mul3A_1 = arith.constant 1024 : i32
    %mul3A_2 = arith.muli %add3A, %mul3A_1 : i32
    %mul3A_3 = arith.constant 16 : i32
    %mul3A_4 = arith.muli %arg1, %mul3A_3 : i32
    %mul3A_5 = arith.constant 16 : i32
    %mul3A_6 = arith.muli %arg1, %mul3A_5 : i32
    "tpu.region"() ({
      %run_scoped3A = tpu.sem_alloc : memref<!tpu.dma_semaphore, #tpu.memory_space<semaphore_mem>>
      %dma_start3A = arith.constant 0 : i32
      %dma_start3A_15 = tpu.memref_slice %arg6[%mul3A_6, %dma_start3A] : memref<256x1024xf32, #tpu.memory_space<vmem_shared>> -> memref<16x1024xf32, #tpu.memory_space<vmem_shared>>
      %dma_start3A_16 = arith.constant 0 : i32
      %dma_start3A_17 = tpu.memref_slice %arg3[%mul3A_4, %dma_start3A_16] : memref<256x1024xf32, #tpu.memory_space<hbm>> -> memref<16x1024xf32, #tpu.memory_space<hbm>>
      tpu.enqueue_dma source(%dma_start3A_17 : memref<16x1024xf32, #tpu.memory_space<hbm>>) target(%dma_start3A_15 : memref<16x1024xf32, #tpu.memory_space<vmem_shared>>) target_semaphore(%run_scoped3A : memref<!tpu.dma_semaphore, #tpu.memory_space<semaphore_mem>>)
      %dma_wait3A_18 = arith.constant 0 : i32
      %dma_wait3A_19 = tpu.memref_slice %arg6[%mul3A_6, %dma_wait3A_18] : memref<256x1024xf32, #tpu.memory_space<vmem_shared>> -> memref<16x1024xf32, #tpu.memory_space<vmem_shared>>
      %dma_wait3A_20 = arith.constant 0 : i32
      %dma_wait3A_21 = tpu.memref_slice %arg3[%mul3A_4, %dma_wait3A_20] : memref<256x1024xf32, #tpu.memory_space<hbm>> -> memref<16x1024xf32, #tpu.memory_space<hbm>>
      tpu.wait_dma2 semaphore(%run_scoped3A : memref<!tpu.dma_semaphore, #tpu.memory_space<semaphore_mem>>) src(%dma_wait3A_21 : memref<16x1024xf32, #tpu.memory_space<hbm>>) dst(%dma_wait3A_19 : memref<16x1024xf32, #tpu.memory_space<vmem_shared>>)
      tpu.yield
    }) : () -> ()
    "tpu.region"() ({
      %run_scoped3A = tpu.sem_alloc : memref<!tpu.dma_semaphore, #tpu.memory_space<semaphore_mem>>
      %dma_start3A = tpu.memref_slice %arg7[%mul3A_2] : memref<32768xi32, #tpu.memory_space<vmem_shared>> -> memref<1024xi32, #tpu.memory_space<vmem_shared>>
      %dma_start3A_15 = tpu.memref_slice %arg2[%mul3A_2] : memref<32768xi32, #tpu.memory_space<hbm>> -> memref<1024xi32, #tpu.memory_space<hbm>>
      tpu.enqueue_dma source(%dma_start3A_15 : memref<1024xi32, #tpu.memory_space<hbm>>) target(%dma_start3A : memref<1024xi32, #tpu.memory_space<vmem_shared>>) target_semaphore(%run_scoped3A : memref<!tpu.dma_semaphore, #tpu.memory_space<semaphore_mem>>)
      %dma_wait3A_16 = tpu.memref_slice %arg7[%mul3A_2] : memref<32768xi32, #tpu.memory_space<vmem_shared>> -> memref<1024xi32, #tpu.memory_space<vmem_shared>>
      %dma_wait3A_17 = tpu.memref_slice %arg2[%mul3A_2] : memref<32768xi32, #tpu.memory_space<hbm>> -> memref<1024xi32, #tpu.memory_space<hbm>>
      tpu.wait_dma2 semaphore(%run_scoped3A : memref<!tpu.dma_semaphore, #tpu.memory_space<semaphore_mem>>) src(%dma_wait3A_17 : memref<1024xi32, #tpu.memory_space<hbm>>) dst(%dma_wait3A_16 : memref<1024xi32, #tpu.memory_space<vmem_shared>>)
      tpu.yield
    }) : () -> ()
    "tpu.region"() ({
      %run_scoped3A = tpu.sem_alloc : memref<!tpu.dma_semaphore, #tpu.memory_space<semaphore_mem>>
      %dma_start3A = tpu.memref_slice %arg7[%mul3A_2] : memref<32768xi32, #tpu.memory_space<vmem_shared>> -> memref<1024xi32, #tpu.memory_space<vmem_shared>>
      tpu.enqueue_dma source(%dma_start3A : memref<1024xi32, #tpu.memory_space<vmem_shared>>) target(%arg5 : memref<1024xi32, #tpu.memory_space<smem>>) target_semaphore(%run_scoped3A : memref<!tpu.dma_semaphore, #tpu.memory_space<semaphore_mem>>)
      %dma_wait3A_15 = tpu.memref_slice %arg7[%mul3A_2] : memref<32768xi32, #tpu.memory_space<vmem_shared>> -> memref<1024xi32, #tpu.memory_space<vmem_shared>>
      tpu.wait_dma2 semaphore(%run_scoped3A : memref<!tpu.dma_semaphore, #tpu.memory_space<semaphore_mem>>) src(%dma_wait3A_15 : memref<1024xi32, #tpu.memory_space<vmem_shared>>) dst(%arg5 : memref<1024xi32, #tpu.memory_space<smem>>)
      tpu.yield
    }) : () -> ()
    %barrier3A = arith.constant 0 : index
    tpu.barrier barrier_id(%barrier3A)
    %scan3A = arith.constant 0 : i32
    %scan3A_7 = arith.constant 0 : i32
    %scan3A_8 = arith.constant 256 : i32
    %scan3A_9 = arith.addi %scan3A_7, %scan3A_8 : i32
    %scan3A_10 = arith.constant 1 : i32
    scf.for %scan3A_15 = %scan3A_7 to %scan3A_9 step %scan3A_10  : i32 {
      %mul3A_16 = arith.constant 4 : i32
      %mul3A_17 = arith.muli %scan3A_15, %mul3A_16 : i32
      %add3A_18 = arith.constant 0 : i32
      %add3A_19 = arith.addi %mul3A_17, %add3A_18 : i32
      %get3A = arith.index_cast %add3A_19 : i32 to index
      %get3A_20 = memref.load %arg5[%get3A] : memref<1024xi32, #tpu.memory_space<smem>>
      %add3A_21 = arith.addi %mul3A_2, %add3A_19 : i32
      %dma_start3A = arith.constant 0 : i32
      %dma_start3A_22 = tpu.memref_slice %arg4[%add3A_21, %dma_start3A] : memref<32768x1024xf32, #tpu.memory_space<hbm>> -> memref<1x1024xf32, #tpu.memory_space<hbm>>
      %dma_start3A_23 = arith.constant 0 : i32
      %dma_start3A_24 = tpu.memref_slice %arg6[%get3A_20, %dma_start3A_23] : memref<256x1024xf32, #tpu.memory_space<vmem_shared>> -> memref<1x1024xf32, #tpu.memory_space<vmem_shared>>
      tpu.enqueue_dma source(%dma_start3A_24 : memref<1x1024xf32, #tpu.memory_space<vmem_shared>>) target(%dma_start3A_22 : memref<1x1024xf32, #tpu.memory_space<hbm>>) target_semaphore(%arg8 : memref<!tpu.dma_semaphore, #tpu.memory_space<semaphore_mem>>)
      %mul3A_25 = arith.constant 4 : i32
      %mul3A_26 = arith.muli %scan3A_15, %mul3A_25 : i32
      %add3A_27 = arith.constant 1 : i32
      %add3A_28 = arith.addi %mul3A_26, %add3A_27 : i32
      %get3A_29 = arith.index_cast %add3A_28 : i32 to index
      %get3A_30 = memref.load %arg5[%get3A_29] : memref<1024xi32, #tpu.memory_space<smem>>
      %add3A_31 = arith.addi %mul3A_2, %add3A_28 : i32
      %dma_start3A_32 = arith.constant 0 : i32
      %dma_start3A_33 = tpu.memref_slice %arg4[%add3A_31, %dma_start3A_32] : memref<32768x1024xf32, #tpu.memory_space<hbm>> -> memref<1x1024xf32, #tpu.memory_space<hbm>>
      %dma_start3A_34 = arith.constant 0 : i32
      %dma_start3A_35 = tpu.memref_slice %arg6[%get3A_30, %dma_start3A_34] : memref<256x1024xf32, #tpu.memory_space<vmem_shared>> -> memref<1x1024xf32, #tpu.memory_space<vmem_shared>>
      tpu.enqueue_dma source(%dma_start3A_35 : memref<1x1024xf32, #tpu.memory_space<vmem_shared>>) target(%dma_start3A_33 : memref<1x1024xf32, #tpu.memory_space<hbm>>) target_semaphore(%arg8 : memref<!tpu.dma_semaphore, #tpu.memory_space<semaphore_mem>>)
      %mul3A_36 = arith.constant 4 : i32
      %mul3A_37 = arith.muli %scan3A_15, %mul3A_36 : i32
      %add3A_38 = arith.constant 2 : i32
      %add3A_39 = arith.addi %mul3A_37, %add3A_38 : i32
      %get3A_40 = arith.index_cast %add3A_39 : i32 to index
      %get3A_41 = memref.load %arg5[%get3A_40] : memref<1024xi32, #tpu.memory_space<smem>>
      %add3A_42 = arith.addi %mul3A_2, %add3A_39 : i32
      %dma_start3A_43 = arith.constant 0 : i32
      %dma_start3A_44 = tpu.memref_slice %arg4[%add3A_42, %dma_start3A_43] : memref<32768x1024xf32, #tpu.memory_space<hbm>> -> memref<1x1024xf32, #tpu.memory_space<hbm>>
      %dma_start3A_45 = arith.constant 0 : i32
      %dma_start3A_46 = tpu.memref_slice %arg6[%get3A_41, %dma_start3A_45] : memref<256x1024xf32, #tpu.memory_space<vmem_shared>> -> memref<1x1024xf32, #tpu.memory_space<vmem_shared>>
      tpu.enqueue_dma source(%dma_start3A_46 : memref<1x1024xf32, #tpu.memory_space<vmem_shared>>) target(%dma_start3A_44 : memref<1x1024xf32, #tpu.memory_space<hbm>>) target_semaphore(%arg8 : memref<!tpu.dma_semaphore, #tpu.memory_space<semaphore_mem>>)
      %mul3A_47 = arith.constant 4 : i32
      %mul3A_48 = arith.muli %scan3A_15, %mul3A_47 : i32
      %add3A_49 = arith.constant 3 : i32
      %add3A_50 = arith.addi %mul3A_48, %add3A_49 : i32
      %get3A_51 = arith.index_cast %add3A_50 : i32 to index
      %get3A_52 = memref.load %arg5[%get3A_51] : memref<1024xi32, #tpu.memory_space<smem>>
      %add3A_53 = arith.addi %mul3A_2, %add3A_50 : i32
      %dma_start3A_54 = arith.constant 0 : i32
      %dma_start3A_55 = tpu.memref_slice %arg4[%add3A_53, %dma_start3A_54] : memref<32768x1024xf32, #tpu.memory_space<hbm>> -> memref<1x1024xf32, #tpu.memory_space<hbm>>
      %dma_start3A_56 = arith.constant 0 : i32
      %dma_start3A_57 = tpu.memref_slice %arg6[%get3A_52, %dma_start3A_56] : memref<256x1024xf32, #tpu.memory_space<vmem_shared>> -> memref<1x1024xf32, #tpu.memory_space<vmem_shared>>
      tpu.enqueue_dma source(%dma_start3A_57 : memref<1x1024xf32, #tpu.memory_space<vmem_shared>>) target(%dma_start3A_55 : memref<1x1024xf32, #tpu.memory_space<hbm>>) target_semaphore(%arg8 : memref<!tpu.dma_semaphore, #tpu.memory_space<semaphore_mem>>)
    }
    %scan3A_11 = arith.constant 256 : i32
    %dma_wait3A = arith.constant 0 : i32
    %dma_wait3A_12 = tpu.memref_slice %arg4[%mul3A_2, %dma_wait3A] : memref<32768x1024xf32, #tpu.memory_space<hbm>> -> memref<1024x1024xf32, #tpu.memory_space<hbm>>
    %dma_wait3A_13 = arith.constant 0 : i32
    %dma_wait3A_14 = tpu.memref_slice %arg4[%mul3A_2, %dma_wait3A_13] : memref<32768x1024xf32, #tpu.memory_space<hbm>> -> memref<1024x1024xf32, #tpu.memory_space<hbm>>
    tpu.wait_dma2 semaphore(%arg8 : memref<!tpu.dma_semaphore, #tpu.memory_space<semaphore_mem>>) src(%dma_wait3A_14 : memref<1024x1024xf32, #tpu.memory_space<hbm>>) dst(%dma_wait3A_12 : memref<1024x1024xf32, #tpu.memory_space<hbm>>)
    return
  }
}

</mosaic_0001>

<sc_bundles>
// kernel: _emb_lookup.3.cloned.1.call-start
scs
__scs_entry_jumppad:
0x0: {  	(pc) =	sbr.rel $0x88, $3  }
0x1: {  	(tag) =	ssettag $0x0;
	lr =	simm.s32 $0x1  }
0x2: {  	[smem:$0x3F9F] =	sst lr;
	_ =	strace $0xD0000000  }
0x3: {  	_ = 	snop  }
0x4: {  	_ = 	snop  }
0x5: {  	_ = 	snop  }
0x6: {  	_ = 	snop  }
0x7: {  	_ = 	snop  }
__scs_overlays_trampoline_lowered:
0x8: {  	[smem:$0x3FAE] =	sst s0  }
0x9: {  	[smem:$0x3FAF] =	sst s1  }
0xa: {  	[smem:$0x3FB0] =	sst s2  }
0xb: {  	[smem:$0x3FB1] =	sst s3  }
0xc: {  	[smem:$0x3FB2] =	sst s4  }
0xd: {  	[smem:$0x3FB3] =	sst s5  }
0xe: {  	[smem:$0x3FB4] =	sst s6  }
0xf: {  	[smem:$0x3FB5] =	sst s7  }
0x10: {  	[smem:$0x3FB6] =	sst s8  }
0x11: {  	[smem:$0x3FB7] =	sst s9;
	s0 =	simm.s32 @!p0 $0x0  }
0x12: {  	s1 =	sld [smem:$0x3F9D];
	s0 =	simm.s32 @p0 $0x1  }
0x13: {  	[smem:$0x3FB8] =	sst s0;
	s0 =	simm.s32 @!p1 $0x0  }
0x14: {  	s2 =	sld [smem:$0x3F9C];
	s0 =	simm.s32 @p1 $0x1  }
0x15: {  	[smem:$0x3FB9] =	sst s0;
	s0 =	simm.s32 @!p2 $0x0  }
0x16: {  	s3 =	sld [smem:$0x3FDB];
	s0 =	simm.s32 @p2 $0x1  }
0x17: {  	s4 =	simm.s32 $0x1BF5;
	[smem:$0x3FBB] =	sst s0  }
0x18: {  	s0 =	sld [smem:$0x3F9E];
	_ =	swait.ge [sflag:s4], $0x0  }
0x19: {  	s7 =	sld [smem:$0x3F9F]  }
0x1a: {  	s8 =	sadd.s32 $0xFFFFE003, lr  }
0x1b: {  	s9 =	sadd.s32 $0xFFFFFEF7, lr;
	s5 =	simm.s32 $0xFFFFFFFF;
	p2 =	slt.u32 s8, $0xFFFFF086  }
0x1c: {  	p1 =	slt.u32 s9, $0xF7A;
	s5 =	simm.s32 @!p2 $0x0  }
0x1d: {  	s5 =	simm.s32 @p1 $0x1;
	p0 =	seq.s32 s7, s2  }
0x1e: {  	s7 =	smul.u32 @!p0 $0xF7A, s2;
	p2 =	seq.s32 @!p0 s5, $0x0  }
0x1f: {  	s9 =	smul.u32 $0xF7A, s1;
	s8 =	simm.s32 @!p0 $0x1BF5;
	p2 =	por !p2, p0  }
0x20: {  	[sflag:s8] =	ssyncset.s32 @!p0 $0xFFFFF086;
	s6 =	sadd.s32 @!p0 s3, s7;
	s7 =	simm.s32 @!p0 $0x108  }
0x21: {  	s3 =	sadd.s32 s3, s9;
	s6 =	sadd.s32 @!p0 $0x88, s6;
	s7 =	simm.s32 @p2 $0x1082  }
0x22: {  	[simem:s7], [sflag:s8] =	dma.local @!p0 [hbm:s6], $0xF7A  }
0x23: {  	s9 =	sor.u32 $0xD0000000, s2;
	s6 =	simm.s32 $0x108;
	_ =	swait.ge @!p0 [sflag:s8], $0x0  }
0x24: {  	s3 =	sadd.s32 $0x88, s3;
	s6 =	simm.s32 @!p1 $0x1082;
	[sflag:s4] =	ssyncset.s32 $0xFFFFF086  }
0x25: {  	[simem:s6], [sflag:s4] =	dma.local [hbm:s3], $0xF7A  }
0x26: {  	[smem:$0x3F9F] =	sst s1;
	(tag) =	ssettag s2;
	_ =	strace s9  }
0x27: {  	s1 =	sld [smem:$0x3FAF]  }
0x28: {  	s2 =	sld [smem:$0x3FB0]  }
0x29: {  	s4 =	sld [smem:$0x3FB2]  }
0x2a: {  	p0 =	seq.s32 s5, $0x0;
	s5 =	sld [smem:$0x3FB3]  }
0x2b: {  	s6 =	sld [smem:$0x3FB4]  }
0x2c: {  	s7 =	sld [smem:$0x3FB5]  }
0x2d: {  	s3 =	simm.s32 $0x108;
	s8 =	sld [smem:$0x3FB6]  }
0x2e: {  	s3 =	simm.s32 @!p0 $0x1082;
	s9 =	sld [smem:$0x3FB7]  }
0x2f: {  	lr =	sadd.s32 s0, s3;
	s0 =	sld [smem:$0x3FAE]  }
0x30: {  	s3 =	sld [smem:$0x3FB1]  }
0x31: {  	[smem:$0x3FBA] =	sst s10  }
0x32: {  	s10 =	sld [smem:$0x3FB8];
	_ =	sdelay $0x3  }
0x33: {  	p0 =	seq.s32 s10, $0x1;
	s10 =	sld [smem:$0x3FBA];
	_ =	sdelay $0x3  }
0x34: {  	[smem:$0x3FBA] =	sst s10  }
0x35: {  	s10 =	sld [smem:$0x3FB9];
	_ =	sdelay $0x3  }
0x36: {  	p1 =	seq.s32 s10, $0x1;
	s10 =	sld [smem:$0x3FBA];
	_ =	sdelay $0x3  }
0x37: {  	[smem:$0x3FBA] =	sst s10  }
0x38: {  	s10 =	sld [smem:$0x3FBB]  }
0x39: {  	_ = 	snop;
	(pc) =	sbr.ind lr, $3  }
0x3a: {  	_ = 	snop  }
0x3b: {  	_ = 	snop  }
0x3c: {  	p2 =	seq.s32 s10, $0x1;
	s10 =	sld [smem:$0x3FBA]  }
0x3d: {  	_ =	shalt  }
0x3e: {  	_ =	shalt  }
0x3f: {  	_ =	shalt  }
0x40: {  	_ =	shalt  }
0x41: {  	_ =	shalt  }
0x42: {  	_ =	shalt  }
0x43: {  	_ =	shalt  }
0x44: {  	_ =	shalt  }
0x45: {  	_ =	shalt  }
0x46: {  	_ =	shalt  }
0x47: {  	_ =	shalt  }
0x48: {  	_ =	shalt  }
0x49: {  	_ =	shalt  }
0x4a: {  	_ =	shalt  }
0x4b: {  	_ =	shalt  }
0x4c: {  	_ =	shalt  }
0x4d: {  	_ =	shalt  }
0x4e: {  	_ =	shalt  }
0x4f: {  	_ =	shalt  }
0x50: {  	_ =	shalt  }
0x51: {  	_ =	shalt  }
0x52: {  	_ =	shalt  }
0x53: {  	_ =	shalt  }
0x54: {  	_ =	shalt  }
0x55: {  	_ =	shalt  }
0x56: {  	_ =	shalt  }
0x57: {  	_ =	shalt  }
0x58: {  	_ =	shalt  }
0x59: {  	_ =	shalt  }
0x5a: {  	_ =	shalt  }
0x5b: {  	_ =	shalt  }
0x5c: {  	_ =	shalt  }
0x5d: {  	_ =	shalt  }
0x5e: {  	_ =	shalt  }
0x5f: {  	_ =	shalt  }
0x60: {  	_ =	shalt  }
0x61: {  	_ =	shalt  }
0x62: {  	_ =	shalt  }
0x63: {  	_ =	shalt  }
0x64: {  	_ =	shalt  }
0x65: {  	_ =	shalt  }
0x66: {  	_ =	shalt  }
0x67: {  	_ =	shalt  }
0x68: {  	_ =	shalt  }
0x69: {  	_ =	shalt  }
0x6a: {  	_ =	shalt  }
0x6b: {  	_ =	shalt  }
0x6c: {  	_ =	shalt  }
0x6d: {  	_ =	shalt  }
0x6e: {  	_ =	shalt  }
0x6f: {  	_ =	shalt  }
0x70: {  	_ =	shalt  }
0x71: {  	_ =	shalt  }
0x72: {  	_ =	shalt  }
0x73: {  	_ =	shalt  }
0x74: {  	_ =	shalt  }
0x75: {  	_ =	shalt  }
0x76: {  	_ =	shalt  }
0x77: {  	_ =	shalt  }
0x78: {  	_ =	shalt  }
0x79: {  	_ =	shalt  }
0x7a: {  	_ =	shalt  }
0x7b: {  	_ =	shalt  }
0x7c: {  	_ =	shalt  }
0x7d: {  	_ =	shalt  }
0x7e: {  	_ =	shalt  }
0x7f: {  	_ =	shalt  }
0x80: {  	_ =	shalt  }
0x81: {  	_ =	shalt  }
0x82: {  	_ =	shalt  }
0x83: {  	_ =	shalt  }
0x84: {  	_ =	shalt  }
0x85: {  	_ =	shalt  }
0x86: {  	_ =	shalt  }
0x87: {  	_ =	shalt  }
.Lfunc_end0:
.L_simem_size_0:
called_computation_lowered:
.L_overlay_start_0:
0x88: {  	s2 =	sld [smem:$0x3FD9]  }
0x89: {  	s3 =	sld [smem:$0x3FFE];
	_ =	sdelay $0x1  }
0x8a: {  	s1 =	srdreg.scid  }
0x8b: {  	s0 =	sand.u32 $0x1, s1  }
0x8c: {  	s18 =	sshll.u32 s0, $0xA;
	s2 =	sadd.s32 s3, s2  }
0x8d: {  	s2 =	sadd.s32 s2, s18  }
0x8e: {  	[smem:$0x3FC6] =	sst s2  }
0x8f: {  	_ = 	snop  }
0x90: {  	s2 =	sld [smem:$0x3FC9]  }
0x91: {  	s19 =	sld [smem:$0x3FC8]  }
0x92: {  	s4 =	sld [smem:$0x3FD0];
	(tm) =	ssettm $0x1  }
0x93: {  	s5 =	sld [smem:$0x3FFB];
	_ =	sdelay $0x3  }
0x94: {  	_ =	strace s5  }
0x95: {  	s5 =	sld [smem:$0x3FFC];
	_ =	sdelay $0x3  }
0x96: {  	_ =	strace s5  }
0x97: {  	s5 =	sld [smem:$0x3FFD];
	_ =	sdelay $0x3  }
0x98: {  	_ =	strace s5  }
0x99: {  	_ =	strace $0x8FFFFFFF  }
0x9a: {  	s20 =	sld [smem:$0x3FDB];
	_ =	sdelay $0x1  }
0x9b: {  	s6 =	simm.s32 $_scs_section_size  }
0x9c: {  	s7 =	simm.s32 $_size__tile_overlayer_lowered;
	s8 =	simm.s32 $_tile_overlayer_lowered  }
0x9d: {  	s23 =	simm.s32 $0x1BFF;
	s22 =	sshll.u32 s8, $0x1;
	s5 =	sadd.s32 s6, s20  }
0x9e: {  	s9 =	simm.s32 $0x0;
	s21 =	sshll.u32 s7, $0x1;
	s7 =	sadd.s32 s22, s5  }
0x9f: {  	[timem:s9], [sflag:s23] =	dma.local [hbm:s7], s21  }
0xa0: {  	_ =	swait.ge [sflag:s23], s21  }
0xa1: {  	s6 =	ssub.s32 $0x0, s21;
	[sflag:s23] =	ssyncset.done $0x0  }
0xa2: {  	[sflag:s23] =	ssyncadd.s32 s6;
	_ =	sdelay $0x1  }
0xa3: {  	s24 =	simm.s32 $0x1B8B  }
0xa4: {  	_ =	swait.ge [sflag:s24], $0x1  }
0xa5: {  	[sflag:s24] =	ssyncset.done $0x0  }
0xa6: {  	s25 =	simm.s32 $0x1B8E;
	[sflag:s24] =	ssyncadd.s32 $0xFFFFFFFF  }
0xa7: {  	s26 =	simm.s32 $execute0_lowered;
	[smem:$0x3FD2] =	sst s25  }
0xa8: {  	s6 =	sshll.u32 s26, $0x1;
	_ =	strace $0x80000046;
	[dreg:$0x1] =	wrdreg $0xFFFFFFFF  }
0xa9: {  	s28 =	simm.s32 $_size_execute0_lowered;
	s5 =	sadd.s32 s5, s6;
	[dreg:$0x0] =	wrdreg $0x0  }
0xaa: {  	s6 =	sshll.u32 s28, $0x1;
	[dreg:$0x2] =	wrdreg s5  }
0xab: {  	[dreg:$0x3] =	wrdreg s6  }
0xac: {  	[dreg:$0x4] =	wrdreg $0xC0  }
0xad: {  	_ =	task [dreg:s9], $0x5FFFF  }
0xae: {  	[dreg:$0x1] =	wrdreg $0xFFFFFFFF  }
0xaf: {  	[dreg:$0x0] =	wrdreg $0x60  }
0xb0: {  	[dreg:$0x2] =	wrdreg s2  }
0xb1: {  	[dreg:$0x3] =	wrdreg s19  }
0xb2: {  	[dreg:$0x4] =	wrdreg s4  }
0xb3: {  	[dreg:$0x5] =	wrdreg $0x0  }
0xb4: {  	[dreg:$0x6] =	wrdreg $0x40000  }
0xb5: {  	[dreg:$0x7] =	wrdreg $0x9  }
0xb6: {  	_ =	task.clear_ibuf [dreg:s9], $0x8FFFF;
	_ =	strace $0x90000046  }
0xb7: {  	s29 =	simm.s32 $0x9;
	_ =	strace $0x80000048  }
0xb8: {  	_ =	swait.ge [sflag:s29], $0x1  }
0xb9: {  	[sflag:s29] =	ssyncadd.s32 $0xFFFFFFFF  }
0xba: {  	_ =	strace $0x90000048  }
0xbb: {  	_ =	sfence  }
0xbc: {  	s30 =	sld [smem:$0x0];
	_ =	sdelay $0x2  }
0xbd: {  	s31 =	sshll.u32 s1, $0xD;
	s1 =	sshrl.u32 s1, $0x2  }
0xbe: {  	s3 =	sand.u32 $0x4000, s31;
	s1 =	sadd.s32 s1, s30  }
0xbf: {  	s0 =	sor.u32 s3, s0;
	s1 =	sshll.u32 s1, $0x11  }
0xc0: {  	s0 =	sor.u32 s1, s0  }
0xc1: {  	s0 =	sadd.s32 $0x8F2B, s0  }
0xc2: {  	[sflag:s0] =	ssyncadd.remote.s32 $0x1  }
0xc3: {  	_ =	sfence.sel $0xFFFF  }
0xc4: {  	[dreg:$0x0] =	wrdreg $0xFFFFFFFF;
	(pc) =	sbr.abs _section_cstart, $3  }
0xc5: {  	[dreg:$0x1] =	wrdreg $0xFFFFFFFF  }
0xc6: {  	_ =	task.clear_ibuf [dreg:s9], $0x2FFFF;
	_ =	strace $0x9FFFFFFF  }
0xc7: {  	(tm) =	ssettm $0x7FFFFFFF  }
tec
execute0_lowered:
.L_overlay_start_1:
0x0: {  	(tag) =	ssettag $0x1  }
0x1: {  	s8 =	rddreg [dreg:$0x0]  }
0x2: {  	s5 =	rddreg [dreg:$0x1]  }
0x3: {  	s1 =	rddreg [dreg:$0x2]  }
0x4: {  	s2 =	rddreg [dreg:$0x3]  }
0x5: {  	s7 =	rddreg [dreg:$0x4];
	s3 =	srdreg.scid  }
0x6: {  	s0 =	rddreg [dreg:$0x5];
	s4 =	simm.s32 $0x0;
	s16 =	simm.s32 $0x0  }
0x7: {  	s9 =	sand.u32 $0x1, s3;
	[smem:$0x7FF] =	sst s4;
	s3 =	stileid.u32  }
0x8: {  	s6 =	ssub.s32 $0x2, s9;
	s11 =	sshll.u32 s3, $0xB;
	s12 =	sshll.u32 s9, $0xA  }
0x9: {  	_ =	strace $0x80000047;
	s30 =	sshll.u32 s3, $0xE;
	s13 =	sshll.u32 s3, $0x6  }
0xa: {  	s14 =	sshll.u32 s3, $0x12;
	s15 =	sshll.u32 s9, $0x11;
	s10 =	sshrl.u32 s6, $0x1  }
0xb: {  	s12 =	sor.u32 s12, s11;
	s5 =	sadd.s32 s5, s11;
	s31 =	sadd.s32 s30, s2  }
0xc: {  	s10 =	ssub.s32 s6, s10;
	s6 =	sor.u32 $0x1C02, s13;
	s7 =	sadd.s32 s12, s7  }
0xd: {  	s12 =	sshrl.u32 s12, $0x3;
	s11 =	sshrl.u32 s31, $0x3;
	s13 =	sor.u32 $0x1C01, s13  }
0xe: {  	s8 =	sadd.s32 s8, s12;
	s9 =	smax.u32 s10, $0x1;
	s10 =	sor.u32 s15, s14  }
0xf: {  	s12 =	sshrl.u32 s7, $0x3;
	s14 =	simm.s32 $0x1;
	s15 =	simm.s32 $0x80  }
.LBB2_1:
0x10: {  	[spmem:s11], [sflag:s6] =	dma.local [hbm:s5], $0x800  }
0x11: {  	s17 =	simm.s32 $0x2  }
0x12: {  	_ =	swait.ge [sflag:s17], $0x800  }
0x13: {  	[sflag:s17] =	ssyncset.done $0x0  }
0x14: {  	[sflag:s17] =	ssyncadd.s32 $0xFFFFF800  }
0x15: {  	[spmem:s12], [sflag:s6] =	dma.local [hbm:s8], $0x80  }
0x16: {  	_ =	swait.ge [sflag:s17], $0x80  }
0x17: {  	[sflag:s17] =	ssyncset.done $0x0  }
0x18: {  	[sflag:s17] =	ssyncadd.s32 $0xFFFFFF80  }
0x19: {  	[smem:s4], [sflag:$0x2] =	stream.linear.gather [spmem:s7], $0x400, $0x38;
	[tilespmem:$0x4800] =	vst v63  }
0x1a: {  	_ =	swait.ge [sflag:s17], $0x400  }
0x1b: {  	[sflag:s17] =	ssyncset.done $0x0  }
0x1c: {  	[sflag:s17] =	ssyncadd.s32 $0xFFFFFC00  }
0x1d: {  	[bflag:$0x0] =	sbarrier.arrive $0xFFFF  }
0x1e: {  	s22 =	sld [smem:$0x0];
	_ =	sdelay $0x2  }
0x1f: {  	s18 =	sshll.u32 s22, $0xA  }
0x20: {  	s17 =	sshll.u32 s22, $0x7;
	s18 =	sand.u32 $0xFFFFE000, s18  }
0x21: {  	s19 =	sand.u32 $0x40, s4;
	s17 =	sand.u32 $0x380, s17;
	s18 =	sadd.s32 s18, s2  }
0x22: {  	s23 =	sand.u32 $0x3FFC00, s10;
	s19 =	sadd.s32 s1, s19;
	s17 =	sadd.s32 s17, s18  }
0x23: {  	s19 =	sadd.s32 s23, s19;
	s17 =	sshrl.u32 s17, $0x3  }
0x24: {  	[hbm:s19@s15], [sflag:s13] =	dma.strided [spmem:s17@s15], $0x80, s14, $0x10   }
0x25: {  	s17 =	sld [smem:$0x1];
	_ =	sdelay $0x2  }
0x26: {  	s20 =	sshll.u32 s17, $0xA  }
0x27: {  	s21 =	simm.s32 $0x10;
	s17 =	sshll.u32 s17, $0x7;
	s20 =	sand.u32 $0xFFFFE000, s20  }
0x28: {  	s21 =	sand.u32 $0x50, s21;
	s17 =	sand.u32 $0x380, s17;
	s20 =	sadd.s32 s20, s2  }
0x29: {  	s24 =	sadd.s32 s1, s21;
	s17 =	sadd.s32 s17, s20  }
0x2a: {  	s20 =	sadd.s32 s23, s24;
	s17 =	sshrl.u32 s17, $0x3  }
0x2b: {  	[hbm:s20@s15], [sflag:s13] =	dma.strided [spmem:s17@s15], $0x80, s14, $0x10   }
0x2c: {  	s17 =	sld [smem:$0x2];
	_ =	sdelay $0x2  }
0x2d: {  	s25 =	sshll.u32 s17, $0xA  }
0x2e: {  	s26 =	simm.s32 $0x20;
	s17 =	sshll.u32 s17, $0x7;
	s20 =	sand.u32 $0xFFFFE000, s25  }
0x2f: {  	s21 =	sand.u32 $0x60, s26;
	s17 =	sand.u32 $0x380, s17;
	s20 =	sadd.s32 s20, s2  }
0x30: {  	s28 =	sadd.s32 s1, s21;
	s17 =	sadd.s32 s17, s20  }
0x31: {  	s18 =	sadd.s32 s23, s28;
	s17 =	sshrl.u32 s17, $0x3  }
0x32: {  	[hbm:s18@s15], [sflag:s13] =	dma.strided [spmem:s17@s15], $0x80, s14, $0x10   }
0x33: {  	s17 =	sld [smem:$0x3];
	_ =	sdelay $0x2  }
0x34: {  	s29 =	sshll.u32 s17, $0xA  }
0x35: {  	s17 =	sshll.u32 s17, $0x7;
	s18 =	sand.u32 $0xFFFFE000, s29  }
0x36: {  	s30 =	sand.u32 $0x380, s17;
	s18 =	sadd.s32 s18, s2  }
0x37: {  	s20 =	sadd.s32 $0x30, s19;
	s19 =	sadd.s32 $0x200, s10;
	s31 =	sadd.s32 s30, s18  }
0x38: {  	s17 =	simm.s32 $0x40;
	s18 =	simm.s32 $0x6;
	s21 =	sshrl.u32 s31, $0x3  }
.LBB2_2:
0x39: {  	[hbm:s20@s15], [sflag:s13] =	dma.strided [spmem:s21@s15], $0x80, s14, $0x10   }
0x3a: {  	s21 =	smov.u32 s17  }
0x3b: {  	p0 =	sne.s32 s17, $0x3FC0;
	s17 =	sadd.s32 $0x40, s17;
	s20 =	sld [smem:s18+$0xFFFFFFFE]  }
0x3c: {  	_ =	sdelay $0x1  }
0x3d: {  	s22 =	sshll.u32 s20, $0xA;
	s20 =	sshll.u32 s20, $0x7  }
0x3e: {  	s22 =	sand.u32 $0xFFFFE000, s22  }
0x3f: {  	s23 =	sand.u32 $0x40, s21;
	s20 =	sand.u32 $0x380, s20;
	s22 =	sadd.s32 s22, s2  }
0x40: {  	s24 =	sand.u32 $0x3FFC00, s19;
	s22 =	sadd.s32 s20, s22;
	s20 =	sadd.s32 s1, s23  }
0x41: {  	s20 =	sadd.s32 s24, s20;
	s22 =	sshrl.u32 s22, $0x3  }
0x42: {  	[hbm:s20@s15], [sflag:s13] =	dma.strided [spmem:s22@s15], $0x80, s14, $0x10   }
0x43: {  	s22 =	sld [smem:s18+$0xFFFFFFFF];
	_ =	sdelay $0x2  }
0x44: {  	s23 =	sshll.u32 s22, $0xA;
	s22 =	sshll.u32 s22, $0x7  }
0x45: {  	s25 =	sadd.s32 $0x10, s21;
	s23 =	sand.u32 $0xFFFFE000, s23  }
0x46: {  	s25 =	sand.u32 $0x50, s25;
	s22 =	sand.u32 $0x380, s22;
	s23 =	sadd.s32 s23, s2  }
0x47: {  	s22 =	sadd.s32 s22, s23;
	s23 =	sadd.s32 s1, s25  }
0x48: {  	s23 =	sadd.s32 s24, s23;
	s22 =	sshrl.u32 s22, $0x3  }
0x49: {  	[hbm:s23@s15], [sflag:s13] =	dma.strided [spmem:s22@s15], $0x80, s14, $0x10   }
0x4a: {  	s22 =	sld [smem:s18+$0x0];
	_ =	sdelay $0x2  }
0x4b: {  	s23 =	sshll.u32 s22, $0xA;
	s22 =	sshll.u32 s22, $0x7  }
0x4c: {  	s21 =	sadd.s32 $0x20, s21;
	s23 =	sand.u32 $0xFFFFE000, s23  }
0x4d: {  	s21 =	sand.u32 $0x60, s21;
	s22 =	sand.u32 $0x380, s22;
	s23 =	sadd.s32 s23, s2  }
0x4e: {  	s21 =	sadd.s32 s1, s21;
	s22 =	sadd.s32 s22, s23  }
0x4f: {  	s21 =	sadd.s32 s24, s21;
	s22 =	sshrl.u32 s22, $0x3  }
0x50: {  	[hbm:s21@s15], [sflag:s13] =	dma.strided [spmem:s22@s15], $0x80, s14, $0x10   }
0x51: {  	s21 =	sld [smem:s18+$0x1];
	_ =	sdelay $0x2  }
.Ltmp0:
0x52: {  	s22 =	sshll.u32 s21, $0xA;
	s21 =	sshll.u32 s21, $0x7;
	(pc) =	sbr.rel @p0 .LBB2_2-.Ltmp0, $4  }
0x53: {  	s22 =	sand.u32 $0xFFFFE000, s22  }
0x54: {  	s21 =	sand.u32 $0x380, s21;
	s22 =	sadd.s32 s22, s2  }
0x55: {  	s18 =	sadd.s32 $0x4, s18;
	s21 =	sadd.s32 s21, s22  }
0x56: {  	s19 =	sadd.s32 $0x200, s19;
	s20 =	sadd.s32 $0x30, s20;
	s21 =	sshrl.u32 s21, $0x3  }
0x57: {  	s16 =	sadd.s32 $0x1, s16  }
0x58: {  	p0 =	sne.s32 s16, s9  }
.Ltmp1:
0x59: {  	_ = 	snop;
	(pc) =	sbr.rel @p0 .LBB2_1-.Ltmp1, $4  }
0x5a: {  	[hbm:s20@s15], [sflag:s13] =	dma.strided [spmem:s21@s15], $0x80, s14, $0x10   }
0x5b: {  	_ =	swait.ge [sflag:s14], $0x20000  }
0x5c: {  	[sflag:s14] =	ssyncset.done $0x0  }
0x5d: {  	[sflag:s14] =	ssyncadd.s32 $0xFFFE0000  }
0x5e: {  	_ =	sfence.sel $0x180000  }
0x5f: {  	[bflag:$0x0] =	sbarrier.arrive $0xFFFF  }
0x60: {  	p0 =	sne.s32 s3, $0x0;
	_ =	strace $0x90000047  }
0x61: {  	s0 =	sadd.s32 @!p0 $0x100000, s0;
	[bflag:$0x2] =	sbarrier.arrive $0xFFFF  }
0x62: {  	[sflag:s0] =	ssyncadd.tile.s32 @!p0 $0x1;
	_ =	shalt  }
.Lfunc_end2:
_tile_overlayer_lowered:
.L_overlay_start_2:
0x63: {  	(tag) =	ssettag $0x2  }
0x64: {  	s0 =	rddreg [dreg:$0x0];
	s2 =	stileid.u32  }
0x65: {  	s1 =	rddreg [dreg:$0x1];
	p0 =	sne.s32 s2, $0x0  }
0x66: {  	s3 =	rddreg [dreg:$0x2];
	[bflag:$0x3] =	sbarrier.arrive $0xFFFF;
	s2 =	simm.s32 @!p0 $0x1C02  }
0x67: {  	[timem:s3], [sflag:s2] =	dma.local @!p0 [hbm:s0], s1  }
0x68: {  	s0 =	simm.s32 @!p0 $0x2  }
0x69: {  	_ =	swait.ge @!p0 [sflag:s0], s1  }
0x6a: {  	s1 =	ssub.s32 @!p0 $0x0, s1;
	[sflag:s0] =	ssyncset.done @!p0 $0x0  }
0x6b: {  	[sflag:s0] =	ssyncadd.s32 @!p0 s1  }
0x6c: {  	[bflag:$0x3] =	sbarrier.arrive $0xFFFF  }
0x6d: {  	_ =	shalt  }

</sc_bundles>
